<compile_context>
chip_gen: v7x
topology: tpu7x:2x2x1
jax: 0.10.2.dev20260603
libtpu: 0.0.44.dev20260713+nightly
codegen_flags: <defaults>
</compile_context>

<pallas_src>
import functools

import jax
import jax.numpy as jnp
from jax import lax
from jax.experimental import pallas as pl
from jax.experimental.pallas import tpu as pltpu
from jax.experimental.pallas import tpu_sc as plsc

_K = 8
_R = 1024


def _proj_kernel(x_ref, w_ref, b_ref, nodes_ref):
    x = x_ref[0]
    w = w_ref[...]
    bv = b_ref[...]
    nodes = lax.dot_general(
        x, w, (((0,), (1,)), ((), ())),
        preferred_element_type=jnp.float32)
    nodes_ref[0] = nodes + bv


def _topk_kernel(rows_ref, nodes_ref, idx_ref):
    rows = rows_ref[0]
    nodes = nodes_ref[0]
    xx_all = jnp.sum(nodes * nodes, axis=1)
    xx_rows = jnp.sum(rows * rows, axis=1)
    inner = lax.dot_general(
        rows, nodes, (((1,), (1,)), ((), ())),
        preferred_element_type=jnp.float32)
    d = (xx_rows[:, None] + (-2.0) * inner) + xx_all[None, :]
    n = float(d.shape[1])
    cols = lax.broadcasted_iota(jnp.int32, d.shape, 1).astype(jnp.float32)
    ams = []
    for t in range(_K + 1):
        m = jnp.min(d, axis=1)
        cand = jnp.where(d == m[:, None], cols, n)
        am = jnp.min(cand, axis=1)
        if t > 0:
            ams.append(am.astype(jnp.int32))
        if t < _K:
            d = jnp.where(cols == am[:, None], jnp.inf, d)
    idx_ref[0] = jnp.stack(ams, axis=1)


def _edge_assemble(idx_flat, batches, n, k):
    nk = n * k
    seg = nk // 8
    nv = seg // 16
    sh = k.bit_length() - 1
    mesh = plsc.VectorSubcoreMesh(core_axis_name="c", subcore_axis_name="s")

    @functools.partial(
        pl.kernel, mesh=mesh,
        out_type=jax.ShapeDtypeStruct((batches, 2, nk), jnp.int32),
        scratch_types=[pltpu.VMEM((seg,), jnp.int32),
                       pltpu.VMEM((seg,), jnp.int32)],
    )
    def k_fn(idx_hbm, out_hbm, dst_v, src_v):
        wid = lax.axis_index("s") * 2 + lax.axis_index("c")
        bi = wid // 8
        qi = wid % 8
        base = qi * seg
        lane = lax.broadcasted_iota(jnp.int32, (16,), 0)

        def body(j, _):
            slots = (base + j * 16) + lane
            src_v[pl.ds(j * 16, 16)] = lax.shift_right_logical(slots, sh)
            return _

        lax.fori_loop(0, nv, body, None)
        pltpu.sync_copy(idx_hbm.at[bi, pl.ds(base, seg)], dst_v)
        pltpu.sync_copy(src_v, out_hbm.at[bi, 0, pl.ds(base, seg)])
        pltpu.sync_copy(dst_v, out_hbm.at[bi, 1, pl.ds(base, seg)])

    return k_fn(idx_flat)


def kernel(features, W, b):
    B, C, H, Wd = features.shape
    N = H * Wd
    Cout = W.shape[0]
    x = features.reshape(B, C, N)
    Wm = W[:, :, 0, 0]
    b2 = b.reshape(1, Cout)

    nodes = pl.pallas_call(
        _proj_kernel,
        grid=(B,),
        in_specs=[pl.BlockSpec((1, C, N), lambda i: (i, 0, 0)),
                  pl.BlockSpec((Cout, C), lambda i: (0, 0)),
                  pl.BlockSpec((1, Cout), lambda i: (0, 0))],
        out_specs=pl.BlockSpec((1, N, Cout), lambda i: (i, 0, 0)),
        out_shape=jax.ShapeDtypeStruct((B, N, Cout), jnp.float32),
    )(x, Wm, b2)

    nb = N // _R
    idx = pl.pallas_call(
        _topk_kernel,
        grid=(B, nb),
        in_specs=[pl.BlockSpec((1, _R, Cout), lambda bi, ri: (bi, ri, 0)),
                  pl.BlockSpec((1, N, Cout), lambda bi, ri: (bi, 0, 0))],
        out_specs=pl.BlockSpec((1, _R, _K), lambda bi, ri: (bi, ri, 0)),
        out_shape=jax.ShapeDtypeStruct((B, N, _K), jnp.int32),
    )(nodes, nodes)

    edge_index = _edge_assemble(idx.reshape(B, N * _K), B, N, _K)
    return (nodes, edge_index)

# --- scband reference (transcript-rebuilt; emitter-appended) ---
"""Pipeline reference for scband-dynamic-graph-constructor-5222680232053 (READ-ONLY COPY).

The authoritative reference and input builder live on the scoring server;
editing this copy changes nothing except your own understanding.
"""

import jax, jax.numpy as jnp
import numpy as np

K_NEIGHBORS = 8

def setup_inputs(seed: int = 0) -> dict:
    key = jax.random.key(seed)
    k1, k2, k3 = jax.random.split(key, 3)
    features = jax.random.normal(k1, (4, 64, 64, 64), dtype=jnp.float32)
    W = jax.random.normal(k2, (64, 64, 1, 1), dtype=jnp.float32) * 0.1
    b = jax.random.normal(k3, (64,), dtype=jnp.float32) * 0.1
    return {"features": features, "W": W, "b": b}

def _knn_graph_batched(nodes, k):
    # nodes: (B, N, C)
    B, N, C = nodes.shape
    xx = jnp.sum(nodes ** 2, axis=-1, keepdims=True)           # (B, N, 1)
    inner = -2.0 * jnp.einsum('bnc,bmc->bnm', nodes, nodes)    # (B, N, N)
    distances = xx + inner + jnp.swapaxes(xx, 1, 2)            # (B, N, N)
    # smallest k+1 distances -> top_k of negated distances
    _, idx = jax.lax.top_k(-distances, k + 1)                  # (B, N, k+1)
    idx = idx[:, :, 1:]                                        # drop self, (B, N, k)
    src = jnp.broadcast_to(jnp.arange(N, dtype=idx.dtype)[None, :, None], idx.shape)
    edge_index = jnp.stack([src, idx], axis=1).reshape(B, 2, N * k)
    return edge_index

def reference(features, W, b):
    # 1x1 conv projection: (B, C, H, W) with weight (Cout, Cin, 1, 1)
    Wm = W[:, :, 0, 0]                                          # (Cout, Cin)
    proj = jnp.einsum('bchw,oc->bohw', features, Wm) + b[None, :, None, None]
    B, C, H, Wd = proj.shape
    N = H * Wd
    nodes = proj.reshape(B, C, N).transpose(0, 2, 1)            # (B, N, C)
    edge_index = _knn_graph_batched(nodes, K_NEIGHBORS)         # (B, 2, N*k)
    return (nodes, edge_index)

if __name__ == "__main__":
    import jax
    _d = setup_inputs()
    print(jax.jit(kernel)(*tuple(_d.values())))

</pallas_src>

<mosaic_0001>
#map = affine_map<(d0, d1) -> (0, 0)>
#map1 = affine_map<(d0, d1) -> (0, 0, 0)>
module attributes {stable_mosaic.version = 14 : i64} {
  func.func @k_fn(%arg0: i32, %arg1: i32, %arg2: memref<4x32768xi32, #tpu.memory_space<hbm>>, %arg3: memref<4x2x32768xi32, #tpu.memory_space<hbm>>, %arg4: memref<4096xi32, #tpu.memory_space<vmem>>, %arg5: memref<4096xi32, #tpu.memory_space<vmem>>) attributes {dimension_semantics = [#tpu.dimension_semantics<core_parallel>, #tpu.dimension_semantics<subcore_parallel>], iteration_bounds = array<i64: 2, 16>, scalar_prefetch = 0 : i64, scratch_operands = 2 : i64, tpu.core_type = #tpu.core_type<sc_vector_subcore>, window_params = [{transform_indices = #map}, {transform_indices = #map1}]} {
    %mul3A = arith.constant 2 : i32
    %mul3A_0 = arith.muli %arg1, %mul3A : i32
    %add3A = arith.addi %mul3A_0, %arg0 : i32
    %jit3A = arith.constant 8 : i32
    %div3A = arith.divsi %add3A, %jit3A : i32
    %sign3A = arith.constant 0 : i32
    %sign3A_1 = arith.cmpi sgt, %add3A, %sign3A : i32
    %sign3A_2 = arith.extui %sign3A_1 : i1 to i32
    %sign3A_3 = arith.constant 0 : i32
    %sign3A_4 = arith.cmpi slt, %add3A, %sign3A_3 : i32
    %sign3A_5 = arith.extui %sign3A_4 : i1 to i32
    %sign3A_6 = arith.subi %sign3A_2, %sign3A_5 : i32
    %sign3A_7 = arith.constant 0 : i32
    %sign3A_8 = arith.cmpi sgt, %jit3A, %sign3A_7 : i32
    %sign3A_9 = arith.extui %sign3A_8 : i1 to i32
    %sign3A_10 = arith.constant 0 : i32
    %sign3A_11 = arith.cmpi slt, %jit3A, %sign3A_10 : i32
    %sign3A_12 = arith.extui %sign3A_11 : i1 to i32
    %sign3A_13 = arith.subi %sign3A_9, %sign3A_12 : i32
    %ne3A = arith.cmpi ne, %sign3A_6, %sign3A_13 : i32
    %rem3A = arith.remsi %add3A, %jit3A : i32
    %ne3A_14 = arith.constant 0 : i32
    %ne3A_15 = arith.cmpi ne, %rem3A, %ne3A_14 : i32
    %and3A = arith.andi %ne3A, %ne3A_15 : i1
    %sub3A = arith.constant 1 : i32
    %sub3A_16 = arith.subi %div3A, %sub3A : i32
    %select_n3A = arith.select %and3A, %sub3A_16, %div3A : i32
    %jit3A_17 = arith.constant 8 : i32
    %eq3A = arith.constant 0 : i32
    %eq3A_18 = arith.cmpi eq, %jit3A_17, %eq3A : i32
    %jit3A_19 = arith.constant 1 : i32
    %select_n3A_20 = arith.select %eq3A_18, %jit3A_19, %jit3A_17 : i32
    %rem3A_21 = arith.remsi %add3A, %select_n3A_20 : i32
    %ne3A_22 = arith.constant 0 : i32
    %ne3A_23 = arith.cmpi ne, %rem3A_21, %ne3A_22 : i32
    %lt3A = arith.constant 0 : i32
    %lt3A_24 = arith.cmpi slt, %rem3A_21, %lt3A : i32
    %lt3A_25 = arith.constant 0 : i32
    %lt3A_26 = arith.cmpi slt, %select_n3A_20, %lt3A_25 : i32
    %ne3A_27 = arith.xori %lt3A_24, %lt3A_26 : i1
    %and3A_28 = arith.andi %ne3A_27, %ne3A_23 : i1
    %add3A_29 = arith.addi %rem3A_21, %select_n3A_20 : i32
    %select_n3A_30 = arith.select %and3A_28, %add3A_29, %rem3A_21 : i32
    %mul3A_31 = arith.constant 4096 : i32
    %mul3A_32 = arith.muli %select_n3A_30, %mul3A_31 : i32
    %iota3A = tpu.iota {dimensions = array<i32: 0>} : vector<16xi32>
    %scan3A = arith.constant 0 : i32
    %scan3A_33 = arith.constant 256 : i32
    %scan3A_34 = arith.addi %scan3A, %scan3A_33 : i32
    %scan3A_35 = arith.constant 1 : i32
    scf.for %scan3A_38 = %scan3A to %scan3A_34 step %scan3A_35  : i32 {
      %mul3A_39 = arith.constant 16 : i32
      %mul3A_40 = arith.muli %scan3A_38, %mul3A_39 : i32
      %add3A_41 = arith.addi %mul3A_32, %mul3A_40 : i32
      %add3A_42 = vector.broadcast %add3A_41 : i32 to vector<16xi32>
      %add3A_43 = arith.addi %add3A_42, %iota3A : vector<16xi32>
      %shift_right_logical3A = arith.constant 3 : i32
      %shift_right_logical3A_44 = vector.broadcast %shift_right_logical3A : i32 to vector<16xi32>
      %shift_right_logical3A_45 = arith.shrui %add3A_43, %shift_right_logical3A_44 : vector<16xi32>
      %mul3A_46 = arith.constant 16 : i32
      %mul3A_47 = arith.muli %scan3A_38, %mul3A_46 : i32
      %swap3A = arith.index_cast %mul3A_47 : i32 to index
      %swap3A_48 = tpu.vector_load %arg5[%swap3A] {strides = array<i32>} : memref<4096xi32, #tpu.memory_space<vmem>>, vector<16xi32>,
      %swap3A_49 = vector.shape_cast %swap3A_48 : vector<16xi32> to vector<16xi32>
      %swap3A_50 = vector.shape_cast %shift_right_logical3A_45 : vector<16xi32> to vector<16xi32>
      tpu.vector_store %arg5[%swap3A], %swap3A_50 {strides = array<i32>} : memref<4096xi32, #tpu.memory_space<vmem>>, vector<16xi32>,
    }
    %scan3A_36 = arith.constant 256 : i32
    "tpu.region"() ({
      %run_scoped3A_38 = tpu.sem_alloc : memref<!tpu.dma_semaphore, #tpu.memory_space<semaphore_mem>>
      %dma_start3A = tpu.memref_slice %arg2[%select_n3A, %mul3A_32] : memref<4x32768xi32, #tpu.memory_space<hbm>> -> memref<1x4096xi32, #tpu.memory_space<hbm>>
      %dma_start3A_39 = tpu.memref_squeeze %dma_start3A : memref<1x4096xi32, #tpu.memory_space<hbm>> -> memref<4096xi32, #tpu.memory_space<hbm>>
      %dma_start3A_40 = tpu.memref_slice %arg2[%select_n3A, %mul3A_32] : memref<4x32768xi32, #tpu.memory_space<hbm>> -> memref<1x4096xi32, #tpu.memory_space<hbm>>
      %dma_start3A_41 = tpu.memref_squeeze %dma_start3A_40 : memref<1x4096xi32, #tpu.memory_space<hbm>> -> memref<4096xi32, #tpu.memory_space<hbm>>
      tpu.enqueue_dma source(%dma_start3A_41 : memref<4096xi32, #tpu.memory_space<hbm>>) target(%arg4 : memref<4096xi32, #tpu.memory_space<vmem>>) target_semaphore(%run_scoped3A_38 : memref<!tpu.dma_semaphore, #tpu.memory_space<semaphore_mem>>)
      %dma_wait3A = tpu.memref_slice %arg2[%select_n3A, %mul3A_32] : memref<4x32768xi32, #tpu.memory_space<hbm>> -> memref<1x4096xi32, #tpu.memory_space<hbm>>
      %dma_wait3A_42 = tpu.memref_squeeze %dma_wait3A : memref<1x4096xi32, #tpu.memory_space<hbm>> -> memref<4096xi32, #tpu.memory_space<hbm>>
      %dma_wait3A_43 = tpu.memref_slice %arg2[%select_n3A, %mul3A_32] : memref<4x32768xi32, #tpu.memory_space<hbm>> -> memref<1x4096xi32, #tpu.memory_space<hbm>>
      %dma_wait3A_44 = tpu.memref_squeeze %dma_wait3A_43 : memref<1x4096xi32, #tpu.memory_space<hbm>> -> memref<4096xi32, #tpu.memory_space<hbm>>
      tpu.wait_dma2 semaphore(%run_scoped3A_38 : memref<!tpu.dma_semaphore, #tpu.memory_space<semaphore_mem>>) src(%dma_wait3A_44 : memref<4096xi32, #tpu.memory_space<hbm>>) dst(%arg4 : memref<4096xi32, #tpu.memory_space<vmem>>)
      tpu.yield
    }) : () -> ()
    %run_scoped3A = arith.constant 0 : i32
    "tpu.region"() ({
      %run_scoped3A_38 = tpu.sem_alloc : memref<!tpu.dma_semaphore, #tpu.memory_space<semaphore_mem>>
      %dma_start3A = tpu.memref_slice %arg3[%select_n3A, %run_scoped3A, %mul3A_32] : memref<4x2x32768xi32, #tpu.memory_space<hbm>> -> memref<1x1x4096xi32, #tpu.memory_space<hbm>>
      %dma_start3A_39 = tpu.memref_squeeze %dma_start3A : memref<1x1x4096xi32, #tpu.memory_space<hbm>> -> memref<4096xi32, #tpu.memory_space<hbm>>
      %dma_start3A_40 = tpu.memref_slice %arg3[%select_n3A, %run_scoped3A, %mul3A_32] : memref<4x2x32768xi32, #tpu.memory_space<hbm>> -> memref<1x1x4096xi32, #tpu.memory_space<hbm>>
      %dma_start3A_41 = tpu.memref_squeeze %dma_start3A_40 : memref<1x1x4096xi32, #tpu.memory_space<hbm>> -> memref<4096xi32, #tpu.memory_space<hbm>>
      tpu.enqueue_dma source(%arg5 : memref<4096xi32, #tpu.memory_space<vmem>>) target(%dma_start3A_41 : memref<4096xi32, #tpu.memory_space<hbm>>) target_semaphore(%run_scoped3A_38 : memref<!tpu.dma_semaphore, #tpu.memory_space<semaphore_mem>>)
      %dma_wait3A = tpu.memref_slice %arg3[%select_n3A, %run_scoped3A, %mul3A_32] : memref<4x2x32768xi32, #tpu.memory_space<hbm>> -> memref<1x1x4096xi32, #tpu.memory_space<hbm>>
      %dma_wait3A_42 = tpu.memref_squeeze %dma_wait3A : memref<1x1x4096xi32, #tpu.memory_space<hbm>> -> memref<4096xi32, #tpu.memory_space<hbm>>
      %dma_wait3A_43 = tpu.memref_slice %arg3[%select_n3A, %run_scoped3A, %mul3A_32] : memref<4x2x32768xi32, #tpu.memory_space<hbm>> -> memref<1x1x4096xi32, #tpu.memory_space<hbm>>
      %dma_wait3A_44 = tpu.memref_squeeze %dma_wait3A_43 : memref<1x1x4096xi32, #tpu.memory_space<hbm>> -> memref<4096xi32, #tpu.memory_space<hbm>>
      tpu.wait_dma2 semaphore(%run_scoped3A_38 : memref<!tpu.dma_semaphore, #tpu.memory_space<semaphore_mem>>) src(%arg5 : memref<4096xi32, #tpu.memory_space<vmem>>) dst(%dma_wait3A_44 : memref<4096xi32, #tpu.memory_space<hbm>>)
      tpu.yield
    }) : () -> ()
    %run_scoped3A_37 = arith.constant 1 : i32
    "tpu.region"() ({
      %run_scoped3A_38 = tpu.sem_alloc : memref<!tpu.dma_semaphore, #tpu.memory_space<semaphore_mem>>
      %dma_start3A = tpu.memref_slice %arg3[%select_n3A, %run_scoped3A_37, %mul3A_32] : memref<4x2x32768xi32, #tpu.memory_space<hbm>> -> memref<1x1x4096xi32, #tpu.memory_space<hbm>>
      %dma_start3A_39 = tpu.memref_squeeze %dma_start3A : memref<1x1x4096xi32, #tpu.memory_space<hbm>> -> memref<4096xi32, #tpu.memory_space<hbm>>
      %dma_start3A_40 = tpu.memref_slice %arg3[%select_n3A, %run_scoped3A_37, %mul3A_32] : memref<4x2x32768xi32, #tpu.memory_space<hbm>> -> memref<1x1x4096xi32, #tpu.memory_space<hbm>>
      %dma_start3A_41 = tpu.memref_squeeze %dma_start3A_40 : memref<1x1x4096xi32, #tpu.memory_space<hbm>> -> memref<4096xi32, #tpu.memory_space<hbm>>
      tpu.enqueue_dma source(%arg4 : memref<4096xi32, #tpu.memory_space<vmem>>) target(%dma_start3A_41 : memref<4096xi32, #tpu.memory_space<hbm>>) target_semaphore(%run_scoped3A_38 : memref<!tpu.dma_semaphore, #tpu.memory_space<semaphore_mem>>)
      %dma_wait3A = tpu.memref_slice %arg3[%select_n3A, %run_scoped3A_37, %mul3A_32] : memref<4x2x32768xi32, #tpu.memory_space<hbm>> -> memref<1x1x4096xi32, #tpu.memory_space<hbm>>
      %dma_wait3A_42 = tpu.memref_squeeze %dma_wait3A : memref<1x1x4096xi32, #tpu.memory_space<hbm>> -> memref<4096xi32, #tpu.memory_space<hbm>>
      %dma_wait3A_43 = tpu.memref_slice %arg3[%select_n3A, %run_scoped3A_37, %mul3A_32] : memref<4x2x32768xi32, #tpu.memory_space<hbm>> -> memref<1x1x4096xi32, #tpu.memory_space<hbm>>
      %dma_wait3A_44 = tpu.memref_squeeze %dma_wait3A_43 : memref<1x1x4096xi32, #tpu.memory_space<hbm>> -> memref<4096xi32, #tpu.memory_space<hbm>>
      tpu.wait_dma2 semaphore(%run_scoped3A_38 : memref<!tpu.dma_semaphore, #tpu.memory_space<semaphore_mem>>) src(%arg4 : memref<4096xi32, #tpu.memory_space<vmem>>) dst(%dma_wait3A_44 : memref<4096xi32, #tpu.memory_space<hbm>>)
      tpu.yield
    }) : () -> ()
    return
  }
}

module attributes {stable_mosaic.version = 14 : i64} {
  func.func @_proj_kernel(%arg0: i32, %arg1: memref<1x64x4096xf32, #tpu.memory_space<vmem>>, %arg2: memref<64x64xf32, #tpu.memory_space<vmem>>, %arg3: memref<1x64xf32, #tpu.memory_space<vmem>>, %arg4: memref<1x4096x64xf32, #tpu.memory_space<vmem>>) attributes {dimension_semantics = [#tpu.dimension_semantics<arbitrary>], iteration_bounds = array<i64: 4>, scalar_prefetch = 0 : i64, scratch_operands = 0 : i64, tpu.core_type = #tpu.core_type<tc>, window_params = [{transform_indices = @transform_0, window_bounds = array<i64: 1, 64, 4096>}, {pipeline_mode = #tpu.pipeline_mode<synchronous>, transform_indices = @transform_1, window_bounds = array<i64: 64, 64>}, {pipeline_mode = #tpu.pipeline_mode<synchronous>, transform_indices = @transform_2, window_bounds = array<i64: 1, 64>}, {transform_indices = @transform_3, window_bounds = array<i64: 1, 4096, 64>}]} {
    %get3A = arith.constant 0 : index
    %get3A_0 = arith.constant 0 : index
    %get3A_1 = arith.constant 0 : index
    %get3A_2 = vector.load %arg1[%get3A, %get3A_0, %get3A_1] : memref<1x64x4096xf32, #tpu.memory_space<vmem>>, vector<1x64x4096xf32>
    %get3A_3 = vector.shape_cast %get3A_2 : vector<1x64x4096xf32> to vector<64x4096xf32>
    %get3A_4 = arith.constant 0 : index
    %get3A_5 = arith.constant 0 : index
    %get3A_6 = vector.load %arg2[%get3A_4, %get3A_5] : memref<64x64xf32, #tpu.memory_space<vmem>>, vector<64x64xf32>
    %get3A_7 = arith.constant 0 : index
    %get3A_8 = arith.constant 0 : index
    %get3A_9 = vector.load %arg3[%get3A_7, %get3A_8] : memref<1x64xf32, #tpu.memory_space<vmem>>, vector<1x64xf32>
    %dot_general3A = arith.constant dense<0.000000e+00> : vector<4096x64xf32>
    %dot_general3A_10 = tpu.matmul %get3A_3, %get3A_6, %dot_general3A {dimension_numbers = #tpu.dot_dimension_numbers<[0], [1], [1], [0], [0, 1, 1, 0], [], []>, transpose_lhs_hint = false} : vector<64x4096xf32>, vector<64x64xf32>, vector<4096x64xf32> -> vector<4096x64xf32>
    %add3A = vector.broadcast %get3A_9 : vector<1x64xf32> to vector<4096x64xf32>
    %add3A_11 = arith.addf %dot_general3A_10, %add3A : vector<4096x64xf32>
    %swap3A = arith.constant 0 : index
    %swap3A_12 = arith.constant 0 : index
    %swap3A_13 = arith.constant 0 : index
    %swap3A_14 = vector.load %arg4[%swap3A, %swap3A_12, %swap3A_13] : memref<1x4096x64xf32, #tpu.memory_space<vmem>>, vector<1x4096x64xf32>
    %swap3A_15 = vector.shape_cast %swap3A_14 : vector<1x4096x64xf32> to vector<4096x64xf32>
    %swap3A_16 = vector.shape_cast %add3A_11 : vector<4096x64xf32> to vector<1x4096x64xf32>
    tpu.vector_store %arg4[%swap3A, %swap3A_12, %swap3A_13], %swap3A_16 {strides = array<i32>} : memref<1x4096x64xf32, #tpu.memory_space<vmem>>, vector<1x4096x64xf32>,
    return
  }
  func.func @transform_0(%arg0: i32) -> (i32, i32, i32) {
    %c0_i32 = arith.constant 0 : i32
    %c0_i32_0 = arith.constant 0 : i32
    %c0_i32_1 = arith.constant 0 : i32
    return %arg0, %c0_i32, %c0_i32_0 : i32, i32, i32
  }
  func.func @transform_1(%arg0: i32) -> (i32, i32) {
    %c0_i32 = arith.constant 0 : i32
    %c0_i32_0 = arith.constant 0 : i32
    %c0_i32_1 = arith.constant 0 : i32
    return %c0_i32, %c0_i32_0 : i32, i32
  }
  func.func @transform_2(%arg0: i32) -> (i32, i32) {
    %c0_i32 = arith.constant 0 : i32
    %c0_i32_0 = arith.constant 0 : i32
    %c0_i32_1 = arith.constant 0 : i32
    return %c0_i32, %c0_i32_0 : i32, i32
  }
  func.func @transform_3(%arg0: i32) -> (i32, i32, i32) {
    %c0_i32 = arith.constant 0 : i32
    %c0_i32_0 = arith.constant 0 : i32
    %c0_i32_1 = arith.constant 0 : i32
    return %arg0, %c0_i32, %c0_i32_0 : i32, i32, i32
  }
}

module attributes {stable_mosaic.version = 14 : i64} {
  func.func @_topk_kernel(%arg0: i32, %arg1: i32, %arg2: memref<1x1024x64xf32, #tpu.memory_space<vmem>>, %arg3: memref<1x4096x64xf32, #tpu.memory_space<vmem>>, %arg4: memref<1x1024x8xi32, #tpu.memory_space<vmem>>) attributes {dimension_semantics = [#tpu.dimension_semantics<arbitrary>, #tpu.dimension_semantics<arbitrary>], iteration_bounds = array<i64: 4, 4>, scalar_prefetch = 0 : i64, scratch_operands = 0 : i64, tpu.core_type = #tpu.core_type<tc>, window_params = [{transform_indices = @transform_0, window_bounds = array<i64: 1, 1024, 64>}, {transform_indices = @transform_1, window_bounds = array<i64: 1, 4096, 64>}, {transform_indices = @transform_2, window_bounds = array<i64: 1, 1024, 8>}]} {
    %get3A = arith.constant 0 : index
    %get3A_0 = arith.constant 0 : index
    %get3A_1 = arith.constant 0 : index
    %get3A_2 = vector.load %arg2[%get3A, %get3A_0, %get3A_1] : memref<1x1024x64xf32, #tpu.memory_space<vmem>>, vector<1x1024x64xf32>
    %get3A_3 = vector.shape_cast %get3A_2 : vector<1x1024x64xf32> to vector<1024x64xf32>
    %get3A_4 = arith.constant 0 : index
    %get3A_5 = arith.constant 0 : index
    %get3A_6 = arith.constant 0 : index
    %get3A_7 = vector.load %arg3[%get3A_4, %get3A_5, %get3A_6] : memref<1x4096x64xf32, #tpu.memory_space<vmem>>, vector<1x4096x64xf32>
    %get3A_8 = vector.shape_cast %get3A_7 : vector<1x4096x64xf32> to vector<4096x64xf32>
    %mul3A = arith.mulf %get3A_8, %get3A_8 : vector<4096x64xf32>
    %reduce_sum3A = arith.constant dense<0.000000e+00> : vector<4096xf32>
    %reduce_sum3A_9 = vector.multi_reduction <add>, %mul3A, %reduce_sum3A [1] : vector<4096x64xf32> to vector<4096xf32>
    %mul3A_10 = arith.mulf %get3A_3, %get3A_3 : vector<1024x64xf32>
    %reduce_sum3A_11 = arith.constant dense<0.000000e+00> : vector<1024xf32>
    %reduce_sum3A_12 = vector.multi_reduction <add>, %mul3A_10, %reduce_sum3A_11 [1] : vector<1024x64xf32> to vector<1024xf32>
    %dot_general3A = arith.constant dense<0.000000e+00> : vector<1024x4096xf32>
    %dot_general3A_13 = tpu.matmul %get3A_3, %get3A_8, %dot_general3A {dimension_numbers = #tpu.dot_dimension_numbers<[1], [1], [0], [0], [0, 0, 1, 0], [], []>, transpose_lhs_hint = false} : vector<1024x64xf32>, vector<4096x64xf32>, vector<1024x4096xf32> -> vector<1024x4096xf32>
    %broadcast_in_dim3A = vector.shape_cast %reduce_sum3A_12 : vector<1024xf32> to vector<1024x1xf32>
    %mul3A_14 = arith.constant -2.000000e+00 : f32
    %mul3A_15 = vector.broadcast %mul3A_14 : f32 to vector<1024x4096xf32>
    %mul3A_16 = arith.mulf %mul3A_15, %dot_general3A_13 : vector<1024x4096xf32>
    %add3A = vector.broadcast %broadcast_in_dim3A : vector<1024x1xf32> to vector<1024x4096xf32>
    %add3A_17 = arith.addf %add3A, %mul3A_16 : vector<1024x4096xf32>
    %broadcast_in_dim3A_18 = vector.shape_cast %reduce_sum3A_9 : vector<4096xf32> to vector<1x4096xf32>
    %add3A_19 = vector.broadcast %broadcast_in_dim3A_18 : vector<1x4096xf32> to vector<1024x4096xf32>
    %add3A_20 = arith.addf %add3A_17, %add3A_19 : vector<1024x4096xf32>
    %iota3A = tpu.iota {dimensions = array<i32: 1>} : vector<1024x4096xi32>
    %convert_element_type3A = arith.sitofp %iota3A : vector<1024x4096xi32> to vector<1024x4096xf32>
    %reduce_min3A = arith.constant dense<0x7F800000> : vector<1024xf32>
    %reduce_min3A_21 = vector.multi_reduction <minimumf>, %add3A_20, %reduce_min3A [1] : vector<1024x4096xf32> to vector<1024xf32>
    %broadcast_in_dim3A_22 = vector.shape_cast %reduce_min3A_21 : vector<1024xf32> to vector<1024x1xf32>
    %eq3A = vector.broadcast %broadcast_in_dim3A_22 : vector<1024x1xf32> to vector<1024x4096xf32>
    %eq3A_23 = arith.cmpf oeq, %add3A_20, %eq3A : vector<1024x4096xf32>
    %jit3A = arith.constant 4.096000e+03 : f32
    %broadcast_in_dim3A_24 = vector.broadcast %jit3A : f32 to vector<1024x4096xf32>
    %select_n3A = arith.select %eq3A_23, %convert_element_type3A, %broadcast_in_dim3A_24 : vector<1024x4096xi1>, vector<1024x4096xf32>
    %reduce_min3A_25 = arith.constant dense<0x7F800000> : vector<1024xf32>
    %reduce_min3A_26 = vector.multi_reduction <minimumf>, %select_n3A, %reduce_min3A_25 [1] : vector<1024x4096xf32> to vector<1024xf32>
    %broadcast_in_dim3A_27 = vector.shape_cast %reduce_min3A_26 : vector<1024xf32> to vector<1024x1xf32>
    %eq3A_28 = vector.broadcast %broadcast_in_dim3A_27 : vector<1024x1xf32> to vector<1024x4096xf32>
    %eq3A_29 = arith.cmpf oeq, %convert_element_type3A, %eq3A_28 : vector<1024x4096xf32>
    %jit3A_30 = arith.constant 0x7F800000 : f32
    %broadcast_in_dim3A_31 = vector.broadcast %jit3A_30 : f32 to vector<1024x4096xf32>
    %select_n3A_32 = arith.select %eq3A_29, %broadcast_in_dim3A_31, %add3A_20 : vector<1024x4096xi1>, vector<1024x4096xf32>
    %reduce_min3A_33 = arith.constant dense<0x7F800000> : vector<1024xf32>
    %reduce_min3A_34 = vector.multi_reduction <minimumf>, %select_n3A_32, %reduce_min3A_33 [1] : vector<1024x4096xf32> to vector<1024xf32>
    %broadcast_in_dim3A_35 = vector.shape_cast %reduce_min3A_34 : vector<1024xf32> to vector<1024x1xf32>
    %eq3A_36 = vector.broadcast %broadcast_in_dim3A_35 : vector<1024x1xf32> to vector<1024x4096xf32>
    %eq3A_37 = arith.cmpf oeq, %select_n3A_32, %eq3A_36 : vector<1024x4096xf32>
    %jit3A_38 = arith.constant 4.096000e+03 : f32
    %broadcast_in_dim3A_39 = vector.broadcast %jit3A_38 : f32 to vector<1024x4096xf32>
    %select_n3A_40 = arith.select %eq3A_37, %convert_element_type3A, %broadcast_in_dim3A_39 : vector<1024x4096xi1>, vector<1024x4096xf32>
    %reduce_min3A_41 = arith.constant dense<0x7F800000> : vector<1024xf32>
    %reduce_min3A_42 = vector.multi_reduction <minimumf>, %select_n3A_40, %reduce_min3A_41 [1] : vector<1024x4096xf32> to vector<1024xf32>
    %convert_element_type3A_43 = arith.fptosi %reduce_min3A_42 : vector<1024xf32> to vector<1024xi32>
    %broadcast_in_dim3A_44 = vector.shape_cast %reduce_min3A_42 : vector<1024xf32> to vector<1024x1xf32>
    %eq3A_45 = vector.broadcast %broadcast_in_dim3A_44 : vector<1024x1xf32> to vector<1024x4096xf32>
    %eq3A_46 = arith.cmpf oeq, %convert_element_type3A, %eq3A_45 : vector<1024x4096xf32>
    %jit3A_47 = arith.constant 0x7F800000 : f32
    %broadcast_in_dim3A_48 = vector.broadcast %jit3A_47 : f32 to vector<1024x4096xf32>
    %select_n3A_49 = arith.select %eq3A_46, %broadcast_in_dim3A_48, %select_n3A_32 : vector<1024x4096xi1>, vector<1024x4096xf32>
    %reduce_min3A_50 = arith.constant dense<0x7F800000> : vector<1024xf32>
    %reduce_min3A_51 = vector.multi_reduction <minimumf>, %select_n3A_49, %reduce_min3A_50 [1] : vector<1024x4096xf32> to vector<1024xf32>
    %broadcast_in_dim3A_52 = vector.shape_cast %reduce_min3A_51 : vector<1024xf32> to vector<1024x1xf32>
    %eq3A_53 = vector.broadcast %broadcast_in_dim3A_52 : vector<1024x1xf32> to vector<1024x4096xf32>
    %eq3A_54 = arith.cmpf oeq, %select_n3A_49, %eq3A_53 : vector<1024x4096xf32>
    %jit3A_55 = arith.constant 4.096000e+03 : f32
    %broadcast_in_dim3A_56 = vector.broadcast %jit3A_55 : f32 to vector<1024x4096xf32>
    %select_n3A_57 = arith.select %eq3A_54, %convert_element_type3A, %broadcast_in_dim3A_56 : vector<1024x4096xi1>, vector<1024x4096xf32>
    %reduce_min3A_58 = arith.constant dense<0x7F800000> : vector<1024xf32>
    %reduce_min3A_59 = vector.multi_reduction <minimumf>, %select_n3A_57, %reduce_min3A_58 [1] : vector<1024x4096xf32> to vector<1024xf32>
    %convert_element_type3A_60 = arith.fptosi %reduce_min3A_59 : vector<1024xf32> to vector<1024xi32>
    %broadcast_in_dim3A_61 = vector.shape_cast %reduce_min3A_59 : vector<1024xf32> to vector<1024x1xf32>
    %eq3A_62 = vector.broadcast %broadcast_in_dim3A_61 : vector<1024x1xf32> to vector<1024x4096xf32>
    %eq3A_63 = arith.cmpf oeq, %convert_element_type3A, %eq3A_62 : vector<1024x4096xf32>
    %jit3A_64 = arith.constant 0x7F800000 : f32
    %broadcast_in_dim3A_65 = vector.broadcast %jit3A_64 : f32 to vector<1024x4096xf32>
    %select_n3A_66 = arith.select %eq3A_63, %broadcast_in_dim3A_65, %select_n3A_49 : vector<1024x4096xi1>, vector<1024x4096xf32>
    %reduce_min3A_67 = arith.constant dense<0x7F800000> : vector<1024xf32>
    %reduce_min3A_68 = vector.multi_reduction <minimumf>, %select_n3A_66, %reduce_min3A_67 [1] : vector<1024x4096xf32> to vector<1024xf32>
    %broadcast_in_dim3A_69 = vector.shape_cast %reduce_min3A_68 : vector<1024xf32> to vector<1024x1xf32>
    %eq3A_70 = vector.broadcast %broadcast_in_dim3A_69 : vector<1024x1xf32> to vector<1024x4096xf32>
    %eq3A_71 = arith.cmpf oeq, %select_n3A_66, %eq3A_70 : vector<1024x4096xf32>
    %jit3A_72 = arith.constant 4.096000e+03 : f32
    %broadcast_in_dim3A_73 = vector.broadcast %jit3A_72 : f32 to vector<1024x4096xf32>
    %select_n3A_74 = arith.select %eq3A_71, %convert_element_type3A, %broadcast_in_dim3A_73 : vector<1024x4096xi1>, vector<1024x4096xf32>
    %reduce_min3A_75 = arith.constant dense<0x7F800000> : vector<1024xf32>
    %reduce_min3A_76 = vector.multi_reduction <minimumf>, %select_n3A_74, %reduce_min3A_75 [1] : vector<1024x4096xf32> to vector<1024xf32>
    %convert_element_type3A_77 = arith.fptosi %reduce_min3A_76 : vector<1024xf32> to vector<1024xi32>
    %broadcast_in_dim3A_78 = vector.shape_cast %reduce_min3A_76 : vector<1024xf32> to vector<1024x1xf32>
    %eq3A_79 = vector.broadcast %broadcast_in_dim3A_78 : vector<1024x1xf32> to vector<1024x4096xf32>
    %eq3A_80 = arith.cmpf oeq, %convert_element_type3A, %eq3A_79 : vector<1024x4096xf32>
    %jit3A_81 = arith.constant 0x7F800000 : f32
    %broadcast_in_dim3A_82 = vector.broadcast %jit3A_81 : f32 to vector<1024x4096xf32>
    %select_n3A_83 = arith.select %eq3A_80, %broadcast_in_dim3A_82, %select_n3A_66 : vector<1024x4096xi1>, vector<1024x4096xf32>
    %reduce_min3A_84 = arith.constant dense<0x7F800000> : vector<1024xf32>
    %reduce_min3A_85 = vector.multi_reduction <minimumf>, %select_n3A_83, %reduce_min3A_84 [1] : vector<1024x4096xf32> to vector<1024xf32>
    %broadcast_in_dim3A_86 = vector.shape_cast %reduce_min3A_85 : vector<1024xf32> to vector<1024x1xf32>
    %eq3A_87 = vector.broadcast %broadcast_in_dim3A_86 : vector<1024x1xf32> to vector<1024x4096xf32>
    %eq3A_88 = arith.cmpf oeq, %select_n3A_83, %eq3A_87 : vector<1024x4096xf32>
    %jit3A_89 = arith.constant 4.096000e+03 : f32
    %broadcast_in_dim3A_90 = vector.broadcast %jit3A_89 : f32 to vector<1024x4096xf32>
    %select_n3A_91 = arith.select %eq3A_88, %convert_element_type3A, %broadcast_in_dim3A_90 : vector<1024x4096xi1>, vector<1024x4096xf32>
    %reduce_min3A_92 = arith.constant dense<0x7F800000> : vector<1024xf32>
    %reduce_min3A_93 = vector.multi_reduction <minimumf>, %select_n3A_91, %reduce_min3A_92 [1] : vector<1024x4096xf32> to vector<1024xf32>
    %convert_element_type3A_94 = arith.fptosi %reduce_min3A_93 : vector<1024xf32> to vector<1024xi32>
    %broadcast_in_dim3A_95 = vector.shape_cast %reduce_min3A_93 : vector<1024xf32> to vector<1024x1xf32>
    %eq3A_96 = vector.broadcast %broadcast_in_dim3A_95 : vector<1024x1xf32> to vector<1024x4096xf32>
    %eq3A_97 = arith.cmpf oeq, %convert_element_type3A, %eq3A_96 : vector<1024x4096xf32>
    %jit3A_98 = arith.constant 0x7F800000 : f32
    %broadcast_in_dim3A_99 = vector.broadcast %jit3A_98 : f32 to vector<1024x4096xf32>
    %select_n3A_100 = arith.select %eq3A_97, %broadcast_in_dim3A_99, %select_n3A_83 : vector<1024x4096xi1>, vector<1024x4096xf32>
    %reduce_min3A_101 = arith.constant dense<0x7F800000> : vector<1024xf32>
    %reduce_min3A_102 = vector.multi_reduction <minimumf>, %select_n3A_100, %reduce_min3A_101 [1] : vector<1024x4096xf32> to vector<1024xf32>
    %broadcast_in_dim3A_103 = vector.shape_cast %reduce_min3A_102 : vector<1024xf32> to vector<1024x1xf32>
    %eq3A_104 = vector.broadcast %broadcast_in_dim3A_103 : vector<1024x1xf32> to vector<1024x4096xf32>
    %eq3A_105 = arith.cmpf oeq, %select_n3A_100, %eq3A_104 : vector<1024x4096xf32>
    %jit3A_106 = arith.constant 4.096000e+03 : f32
    %broadcast_in_dim3A_107 = vector.broadcast %jit3A_106 : f32 to vector<1024x4096xf32>
    %select_n3A_108 = arith.select %eq3A_105, %convert_element_type3A, %broadcast_in_dim3A_107 : vector<1024x4096xi1>, vector<1024x4096xf32>
    %reduce_min3A_109 = arith.constant dense<0x7F800000> : vector<1024xf32>
    %reduce_min3A_110 = vector.multi_reduction <minimumf>, %select_n3A_108, %reduce_min3A_109 [1] : vector<1024x4096xf32> to vector<1024xf32>
    %convert_element_type3A_111 = arith.fptosi %reduce_min3A_110 : vector<1024xf32> to vector<1024xi32>
    %broadcast_in_dim3A_112 = vector.shape_cast %reduce_min3A_110 : vector<1024xf32> to vector<1024x1xf32>
    %eq3A_113 = vector.broadcast %broadcast_in_dim3A_112 : vector<1024x1xf32> to vector<1024x4096xf32>
    %eq3A_114 = arith.cmpf oeq, %convert_element_type3A, %eq3A_113 : vector<1024x4096xf32>
    %jit3A_115 = arith.constant 0x7F800000 : f32
    %broadcast_in_dim3A_116 = vector.broadcast %jit3A_115 : f32 to vector<1024x4096xf32>
    %select_n3A_117 = arith.select %eq3A_114, %broadcast_in_dim3A_116, %select_n3A_100 : vector<1024x4096xi1>, vector<1024x4096xf32>
    %reduce_min3A_118 = arith.constant dense<0x7F800000> : vector<1024xf32>
    %reduce_min3A_119 = vector.multi_reduction <minimumf>, %select_n3A_117, %reduce_min3A_118 [1] : vector<1024x4096xf32> to vector<1024xf32>
    %broadcast_in_dim3A_120 = vector.shape_cast %reduce_min3A_119 : vector<1024xf32> to vector<1024x1xf32>
    %eq3A_121 = vector.broadcast %broadcast_in_dim3A_120 : vector<1024x1xf32> to vector<1024x4096xf32>
    %eq3A_122 = arith.cmpf oeq, %select_n3A_117, %eq3A_121 : vector<1024x4096xf32>
    %jit3A_123 = arith.constant 4.096000e+03 : f32
    %broadcast_in_dim3A_124 = vector.broadcast %jit3A_123 : f32 to vector<1024x4096xf32>
    %select_n3A_125 = arith.select %eq3A_122, %convert_element_type3A, %broadcast_in_dim3A_124 : vector<1024x4096xi1>, vector<1024x4096xf32>
    %reduce_min3A_126 = arith.constant dense<0x7F800000> : vector<1024xf32>
    %reduce_min3A_127 = vector.multi_reduction <minimumf>, %select_n3A_125, %reduce_min3A_126 [1] : vector<1024x4096xf32> to vector<1024xf32>
    %convert_element_type3A_128 = arith.fptosi %reduce_min3A_127 : vector<1024xf32> to vector<1024xi32>
    %broadcast_in_dim3A_129 = vector.shape_cast %reduce_min3A_127 : vector<1024xf32> to vector<1024x1xf32>
    %eq3A_130 = vector.broadcast %broadcast_in_dim3A_129 : vector<1024x1xf32> to vector<1024x4096xf32>
    %eq3A_131 = arith.cmpf oeq, %convert_element_type3A, %eq3A_130 : vector<1024x4096xf32>
    %jit3A_132 = arith.constant 0x7F800000 : f32
    %broadcast_in_dim3A_133 = vector.broadcast %jit3A_132 : f32 to vector<1024x4096xf32>
    %select_n3A_134 = arith.select %eq3A_131, %broadcast_in_dim3A_133, %select_n3A_117 : vector<1024x4096xi1>, vector<1024x4096xf32>
    %reduce_min3A_135 = arith.constant dense<0x7F800000> : vector<1024xf32>
    %reduce_min3A_136 = vector.multi_reduction <minimumf>, %select_n3A_134, %reduce_min3A_135 [1] : vector<1024x4096xf32> to vector<1024xf32>
    %broadcast_in_dim3A_137 = vector.shape_cast %reduce_min3A_136 : vector<1024xf32> to vector<1024x1xf32>
    %eq3A_138 = vector.broadcast %broadcast_in_dim3A_137 : vector<1024x1xf32> to vector<1024x4096xf32>
    %eq3A_139 = arith.cmpf oeq, %select_n3A_134, %eq3A_138 : vector<1024x4096xf32>
    %jit3A_140 = arith.constant 4.096000e+03 : f32
    %broadcast_in_dim3A_141 = vector.broadcast %jit3A_140 : f32 to vector<1024x4096xf32>
    %select_n3A_142 = arith.select %eq3A_139, %convert_element_type3A, %broadcast_in_dim3A_141 : vector<1024x4096xi1>, vector<1024x4096xf32>
    %reduce_min3A_143 = arith.constant dense<0x7F800000> : vector<1024xf32>
    %reduce_min3A_144 = vector.multi_reduction <minimumf>, %select_n3A_142, %reduce_min3A_143 [1] : vector<1024x4096xf32> to vector<1024xf32>
    %convert_element_type3A_145 = arith.fptosi %reduce_min3A_144 : vector<1024xf32> to vector<1024xi32>
    %broadcast_in_dim3A_146 = vector.shape_cast %reduce_min3A_144 : vector<1024xf32> to vector<1024x1xf32>
    %eq3A_147 = vector.broadcast %broadcast_in_dim3A_146 : vector<1024x1xf32> to vector<1024x4096xf32>
    %eq3A_148 = arith.cmpf oeq, %convert_element_type3A, %eq3A_147 : vector<1024x4096xf32>
    %jit3A_149 = arith.constant 0x7F800000 : f32
    %broadcast_in_dim3A_150 = vector.broadcast %jit3A_149 : f32 to vector<1024x4096xf32>
    %select_n3A_151 = arith.select %eq3A_148, %broadcast_in_dim3A_150, %select_n3A_134 : vector<1024x4096xi1>, vector<1024x4096xf32>
    %reduce_min3A_152 = arith.constant dense<0x7F800000> : vector<1024xf32>
    %reduce_min3A_153 = vector.multi_reduction <minimumf>, %select_n3A_151, %reduce_min3A_152 [1] : vector<1024x4096xf32> to vector<1024xf32>
    %broadcast_in_dim3A_154 = vector.shape_cast %reduce_min3A_153 : vector<1024xf32> to vector<1024x1xf32>
    %eq3A_155 = vector.broadcast %broadcast_in_dim3A_154 : vector<1024x1xf32> to vector<1024x4096xf32>
    %eq3A_156 = arith.cmpf oeq, %select_n3A_151, %eq3A_155 : vector<1024x4096xf32>
    %jit3A_157 = arith.constant 4.096000e+03 : f32
    %broadcast_in_dim3A_158 = vector.broadcast %jit3A_157 : f32 to vector<1024x4096xf32>
    %select_n3A_159 = arith.select %eq3A_156, %convert_element_type3A, %broadcast_in_dim3A_158 : vector<1024x4096xi1>, vector<1024x4096xf32>
    %reduce_min3A_160 = arith.constant dense<0x7F800000> : vector<1024xf32>
    %reduce_min3A_161 = vector.multi_reduction <minimumf>, %select_n3A_159, %reduce_min3A_160 [1] : vector<1024x4096xf32> to vector<1024xf32>
    %convert_element_type3A_162 = arith.fptosi %reduce_min3A_161 : vector<1024xf32> to vector<1024xi32>
    %stack3A = vector.shape_cast %convert_element_type3A_43 : vector<1024xi32> to vector<1024x1xi32>
    %stack3A_163 = vector.shape_cast %convert_element_type3A_60 : vector<1024xi32> to vector<1024x1xi32>
    %stack3A_164 = vector.shape_cast %convert_element_type3A_77 : vector<1024xi32> to vector<1024x1xi32>
    %stack3A_165 = vector.shape_cast %convert_element_type3A_94 : vector<1024xi32> to vector<1024x1xi32>
    %stack3A_166 = vector.shape_cast %convert_element_type3A_111 : vector<1024xi32> to vector<1024x1xi32>
    %stack3A_167 = vector.shape_cast %convert_element_type3A_128 : vector<1024xi32> to vector<1024x1xi32>
    %stack3A_168 = vector.shape_cast %convert_element_type3A_145 : vector<1024xi32> to vector<1024x1xi32>
    %stack3A_169 = vector.shape_cast %convert_element_type3A_162 : vector<1024xi32> to vector<1024x1xi32>
    %stack3A_170 = tpu.concatenate %stack3A, %stack3A_163, %stack3A_164, %stack3A_165, %stack3A_166, %stack3A_167, %stack3A_168, %stack3A_169 in 1 : vector<1024x1xi32>, vector<1024x1xi32>, vector<1024x1xi32>, vector<1024x1xi32>, vector<1024x1xi32>, vector<1024x1xi32>, vector<1024x1xi32>, vector<1024x1xi32> -> vector<1024x8xi32>
    %swap3A = arith.constant 0 : index
    %swap3A_171 = arith.constant 0 : index
    %swap3A_172 = arith.constant 0 : index
    %swap3A_173 = vector.load %arg4[%swap3A, %swap3A_171, %swap3A_172] : memref<1x1024x8xi32, #tpu.memory_space<vmem>>, vector<1x1024x8xi32>
    %swap3A_174 = vector.shape_cast %swap3A_173 : vector<1x1024x8xi32> to vector<1024x8xi32>
    %swap3A_175 = vector.shape_cast %stack3A_170 : vector<1024x8xi32> to vector<1x1024x8xi32>
    tpu.vector_store %arg4[%swap3A, %swap3A_171, %swap3A_172], %swap3A_175 {strides = array<i32>} : memref<1x1024x8xi32, #tpu.memory_space<vmem>>, vector<1x1024x8xi32>,
    return
  }
  func.func @transform_0(%arg0: i32, %arg1: i32) -> (i32, i32, i32) {
    %c0_i32 = arith.constant 0 : i32
    %c0_i32_0 = arith.constant 0 : i32
    return %arg0, %arg1, %c0_i32 : i32, i32, i32
  }
  func.func @transform_1(%arg0: i32, %arg1: i32) -> (i32, i32, i32) {
    %c0_i32 = arith.constant 0 : i32
    %c0_i32_0 = arith.constant 0 : i32
    %c0_i32_1 = arith.constant 0 : i32
    return %arg0, %c0_i32, %c0_i32_0 : i32, i32, i32
  }
  func.func @transform_2(%arg0: i32, %arg1: i32) -> (i32, i32, i32) {
    %c0_i32 = arith.constant 0 : i32
    %c0_i32_0 = arith.constant 0 : i32
    return %arg0, %arg1, %c0_i32 : i32, i32, i32
  }
}

</mosaic_0001>

<sc_bundles>
// kernel: kernel.5.cloned.1.call-start
scs
__scs_entry_jumppad:
0x0: {  	(pc) =	sbr.rel $0x88, $3  }
0x1: {  	(tag) =	ssettag $0x0;
	lr =	simm.s32 $0x1  }
0x2: {  	[smem:$0x3F9E] =	sst lr;
	_ =	strace $0xD0000000  }
0x3: {  	_ = 	snop  }
0x4: {  	_ = 	snop  }
0x5: {  	_ = 	snop  }
0x6: {  	_ = 	snop  }
0x7: {  	_ = 	snop  }
__scs_overlays_trampoline_lowered:
0x8: {  	[smem:$0x3FAD] =	sst s0  }
0x9: {  	[smem:$0x3FAE] =	sst s1  }
0xa: {  	[smem:$0x3FAF] =	sst s2  }
0xb: {  	[smem:$0x3FB0] =	sst s3  }
0xc: {  	[smem:$0x3FB1] =	sst s4  }
0xd: {  	[smem:$0x3FB2] =	sst s5  }
0xe: {  	[smem:$0x3FB3] =	sst s6  }
0xf: {  	[smem:$0x3FB4] =	sst s7  }
0x10: {  	[smem:$0x3FB5] =	sst s8  }
0x11: {  	[smem:$0x3FB6] =	sst s9;
	s0 =	simm.s32 @!p0 $0x0  }
0x12: {  	s1 =	sld [smem:$0x3F9C];
	s0 =	simm.s32 @p0 $0x1  }
0x13: {  	[smem:$0x3FB7] =	sst s0;
	s0 =	simm.s32 @!p1 $0x0  }
0x14: {  	s2 =	sld [smem:$0x3F9B];
	s0 =	simm.s32 @p1 $0x1  }
0x15: {  	[smem:$0x3FB8] =	sst s0;
	s0 =	simm.s32 @!p2 $0x0  }
0x16: {  	s3 =	sld [smem:$0x3FDB];
	s0 =	simm.s32 @p2 $0x1  }
0x17: {  	s4 =	simm.s32 $0x1BF5;
	[smem:$0x3FBA] =	sst s0  }
0x18: {  	s0 =	sld [smem:$0x3F9D];
	_ =	swait.ge [sflag:s4], $0x0  }
0x19: {  	s7 =	sld [smem:$0x3F9E]  }
0x1a: {  	s8 =	sadd.s32 $0xFFFFE003, lr  }
0x1b: {  	s9 =	sadd.s32 $0xFFFFFEF7, lr;
	s5 =	simm.s32 $0xFFFFFFFF;
	p2 =	slt.u32 s8, $0xFFFFF086  }
0x1c: {  	p1 =	slt.u32 s9, $0xF7A;
	s5 =	simm.s32 @!p2 $0x0  }
0x1d: {  	s5 =	simm.s32 @p1 $0x1;
	p0 =	seq.s32 s7, s2  }
0x1e: {  	s7 =	smul.u32 @!p0 $0xF7A, s2;
	p2 =	seq.s32 @!p0 s5, $0x0  }
0x1f: {  	s9 =	smul.u32 $0xF7A, s1;
	s8 =	simm.s32 @!p0 $0x1BF5;
	p2 =	por !p2, p0  }
0x20: {  	[sflag:s8] =	ssyncset.s32 @!p0 $0xFFFFF086;
	s6 =	sadd.s32 @!p0 s3, s7;
	s7 =	simm.s32 @!p0 $0x108  }
0x21: {  	s3 =	sadd.s32 s3, s9;
	s6 =	sadd.s32 @!p0 $0x88, s6;
	s7 =	simm.s32 @p2 $0x1082  }
0x22: {  	[simem:s7], [sflag:s8] =	dma.local @!p0 [hbm:s6], $0xF7A  }
0x23: {  	s9 =	sor.u32 $0xD0000000, s2;
	s6 =	simm.s32 $0x108;
	_ =	swait.ge @!p0 [sflag:s8], $0x0  }
0x24: {  	s3 =	sadd.s32 $0x88, s3;
	s6 =	simm.s32 @!p1 $0x1082;
	[sflag:s4] =	ssyncset.s32 $0xFFFFF086  }
0x25: {  	[simem:s6], [sflag:s4] =	dma.local [hbm:s3], $0xF7A  }
0x26: {  	[smem:$0x3F9E] =	sst s1;
	(tag) =	ssettag s2;
	_ =	strace s9  }
0x27: {  	s1 =	sld [smem:$0x3FAE]  }
0x28: {  	s2 =	sld [smem:$0x3FAF]  }
0x29: {  	s4 =	sld [smem:$0x3FB1]  }
0x2a: {  	p0 =	seq.s32 s5, $0x0;
	s5 =	sld [smem:$0x3FB2]  }
0x2b: {  	s6 =	sld [smem:$0x3FB3]  }
0x2c: {  	s7 =	sld [smem:$0x3FB4]  }
0x2d: {  	s3 =	simm.s32 $0x108;
	s8 =	sld [smem:$0x3FB5]  }
0x2e: {  	s3 =	simm.s32 @!p0 $0x1082;
	s9 =	sld [smem:$0x3FB6]  }
0x2f: {  	lr =	sadd.s32 s0, s3;
	s0 =	sld [smem:$0x3FAD]  }
0x30: {  	s3 =	sld [smem:$0x3FB0]  }
0x31: {  	[smem:$0x3FB9] =	sst s10  }
0x32: {  	s10 =	sld [smem:$0x3FB7];
	_ =	sdelay $0x3  }
0x33: {  	p0 =	seq.s32 s10, $0x1;
	s10 =	sld [smem:$0x3FB9];
	_ =	sdelay $0x3  }
0x34: {  	[smem:$0x3FB9] =	sst s10  }
0x35: {  	s10 =	sld [smem:$0x3FB8];
	_ =	sdelay $0x3  }
0x36: {  	p1 =	seq.s32 s10, $0x1;
	s10 =	sld [smem:$0x3FB9];
	_ =	sdelay $0x3  }
0x37: {  	[smem:$0x3FB9] =	sst s10  }
0x38: {  	s10 =	sld [smem:$0x3FBA]  }
0x39: {  	_ = 	snop;
	(pc) =	sbr.ind lr, $3  }
0x3a: {  	_ = 	snop  }
0x3b: {  	_ = 	snop  }
0x3c: {  	p2 =	seq.s32 s10, $0x1;
	s10 =	sld [smem:$0x3FB9]  }
0x3d: {  	_ =	shalt  }
0x3e: {  	_ =	shalt  }
0x3f: {  	_ =	shalt  }
0x40: {  	_ =	shalt  }
0x41: {  	_ =	shalt  }
0x42: {  	_ =	shalt  }
0x43: {  	_ =	shalt  }
0x44: {  	_ =	shalt  }
0x45: {  	_ =	shalt  }
0x46: {  	_ =	shalt  }
0x47: {  	_ =	shalt  }
0x48: {  	_ =	shalt  }
0x49: {  	_ =	shalt  }
0x4a: {  	_ =	shalt  }
0x4b: {  	_ =	shalt  }
0x4c: {  	_ =	shalt  }
0x4d: {  	_ =	shalt  }
0x4e: {  	_ =	shalt  }
0x4f: {  	_ =	shalt  }
0x50: {  	_ =	shalt  }
0x51: {  	_ =	shalt  }
0x52: {  	_ =	shalt  }
0x53: {  	_ =	shalt  }
0x54: {  	_ =	shalt  }
0x55: {  	_ =	shalt  }
0x56: {  	_ =	shalt  }
0x57: {  	_ =	shalt  }
0x58: {  	_ =	shalt  }
0x59: {  	_ =	shalt  }
0x5a: {  	_ =	shalt  }
0x5b: {  	_ =	shalt  }
0x5c: {  	_ =	shalt  }
0x5d: {  	_ =	shalt  }
0x5e: {  	_ =	shalt  }
0x5f: {  	_ =	shalt  }
0x60: {  	_ =	shalt  }
0x61: {  	_ =	shalt  }
0x62: {  	_ =	shalt  }
0x63: {  	_ =	shalt  }
0x64: {  	_ =	shalt  }
0x65: {  	_ =	shalt  }
0x66: {  	_ =	shalt  }
0x67: {  	_ =	shalt  }
0x68: {  	_ =	shalt  }
0x69: {  	_ =	shalt  }
0x6a: {  	_ =	shalt  }
0x6b: {  	_ =	shalt  }
0x6c: {  	_ =	shalt  }
0x6d: {  	_ =	shalt  }
0x6e: {  	_ =	shalt  }
0x6f: {  	_ =	shalt  }
0x70: {  	_ =	shalt  }
0x71: {  	_ =	shalt  }
0x72: {  	_ =	shalt  }
0x73: {  	_ =	shalt  }
0x74: {  	_ =	shalt  }
0x75: {  	_ =	shalt  }
0x76: {  	_ =	shalt  }
0x77: {  	_ =	shalt  }
0x78: {  	_ =	shalt  }
0x79: {  	_ =	shalt  }
0x7a: {  	_ =	shalt  }
0x7b: {  	_ =	shalt  }
0x7c: {  	_ =	shalt  }
0x7d: {  	_ =	shalt  }
0x7e: {  	_ =	shalt  }
0x7f: {  	_ =	shalt  }
0x80: {  	_ =	shalt  }
0x81: {  	_ =	shalt  }
0x82: {  	_ =	shalt  }
0x83: {  	_ =	shalt  }
0x84: {  	_ =	shalt  }
0x85: {  	_ =	shalt  }
0x86: {  	_ =	shalt  }
0x87: {  	_ =	shalt  }
.Lfunc_end0:
.L_simem_size_0:
called_computation_lowered:
.L_overlay_start_0:
0x88: {  	s2 =	sld [smem:$0x3FD9]  }
0x89: {  	s3 =	sld [smem:$0x3FFE];
	_ =	sdelay $0x1  }
0x8a: {  	s1 =	srdreg.scid  }
0x8b: {  	s0 =	sand.u32 $0x1, s1  }
0x8c: {  	s14 =	sshll.u32 s0, $0xA;
	s2 =	sadd.s32 s3, s2  }
0x8d: {  	s2 =	sadd.s32 s2, s14  }
0x8e: {  	[smem:$0x3FC5] =	sst s2  }
0x8f: {  	_ = 	snop  }
0x90: {  	s2 =	sld [smem:$0x3FD0];
	_ =	sdelay $0x2  }
0x91: {  	s15 =	simm.s32 $0xA;
	s4 =	simm.s32 $0x10  }
0x92: {  	[smem:s4], [sflag:s15] =	dma.local [hbm:s2], $0x1  }
0x93: {  	_ =	swait.eq [sflag:s15], $0x1  }
0x94: {  	[sflag:s15] =	ssyncset.done $0x0  }
0x95: {  	[sflag:s15] =	ssyncadd.s32 $0xFFFFFFFF  }
0x96: {  	s16 =	sld [smem:$0x11];
	(tm) =	ssettm $0x1  }
0x97: {  	s17 =	sld [smem:$0x3FFB];
	_ =	sdelay $0x3  }
0x98: {  	_ =	strace s17  }
0x99: {  	s3 =	sld [smem:$0x3FFC];
	_ =	sdelay $0x3  }
0x9a: {  	_ =	strace s3  }
0x9b: {  	s3 =	sld [smem:$0x3FFD];
	_ =	sdelay $0x3  }
0x9c: {  	_ =	strace s3  }
0x9d: {  	_ =	strace $0x8FFFFFFF  }
0x9e: {  	s18 =	sld [smem:$0x3FDB];
	_ =	sdelay $0x1  }
0x9f: {  	s19 =	simm.s32 $_scs_section_size  }
0xa0: {  	s5 =	simm.s32 $_size__tile_overlayer_lowered;
	s6 =	simm.s32 $_tile_overlayer_lowered  }
0xa1: {  	s22 =	simm.s32 $0x1BFF;
	s21 =	sshll.u32 s6, $0x1;
	s3 =	sadd.s32 s19, s18  }
0xa2: {  	s7 =	simm.s32 $0x0;
	s20 =	sshll.u32 s5, $0x1;
	s5 =	sadd.s32 s21, s3  }
0xa3: {  	[timem:s7], [sflag:s22] =	dma.local [hbm:s5], s20  }
0xa4: {  	_ =	swait.ge [sflag:s22], s20  }
0xa5: {  	s4 =	ssub.s32 $0x0, s20;
	[sflag:s22] =	ssyncset.done $0x0  }
0xa6: {  	[sflag:s22] =	ssyncadd.s32 s4;
	_ =	sdelay $0x1  }
0xa7: {  	s23 =	simm.s32 $0x1B8B  }
0xa8: {  	_ =	swait.ge [sflag:s23], $0x1  }
0xa9: {  	[sflag:s23] =	ssyncset.done $0x0  }
0xaa: {  	s25 =	simm.s32 $0x1B8E;
	s24 =	sld [smem:$0x3FFE];
	[sflag:s23] =	ssyncadd.s32 $0xFFFFFFFF  }
0xab: {  	s26 =	simm.s32 $execute0_lowered;
	[smem:$0x3FD2] =	sst s25  }
0xac: {  	s5 =	sshll.u32 s26, $0x1;
	_ =	strace $0x80000046;
	[dreg:$0x1] =	wrdreg $0xFFFFFFFF  }
0xad: {  	s28 =	simm.s32 $_size_execute0_lowered;
	s3 =	sadd.s32 s3, s5;
	[dreg:$0x0] =	wrdreg $0x0  }
0xae: {  	s5 =	sshll.u32 s28, $0x1;
	[dreg:$0x2] =	wrdreg s3  }
0xaf: {  	[dreg:$0x3] =	wrdreg s5  }
0xb0: {  	[dreg:$0x4] =	wrdreg $0xC0  }
0xb1: {  	_ =	task [dreg:s7], $0x5FFFF  }
0xb2: {  	[dreg:$0x1] =	wrdreg $0xFFFFFFFF  }
0xb3: {  	[dreg:$0x0] =	wrdreg $0x60  }
0xb4: {  	[dreg:$0x2] =	wrdreg s24  }
0xb5: {  	[dreg:$0x3] =	wrdreg s16  }
0xb6: {  	[dreg:$0x4] =	wrdreg $0x9  }
0xb7: {  	_ =	task.clear_ibuf [dreg:s7], $0x5FFFF;
	_ =	strace $0x90000046  }
0xb8: {  	s29 =	simm.s32 $0x9;
	_ =	strace $0x80000048  }
0xb9: {  	_ =	swait.ge [sflag:s29], $0x1  }
0xba: {  	[sflag:s29] =	ssyncadd.s32 $0xFFFFFFFF  }
0xbb: {  	_ =	strace $0x90000048  }
0xbc: {  	_ =	sfence  }
0xbd: {  	s30 =	sld [smem:$0x0];
	_ =	sdelay $0x2  }
0xbe: {  	s31 =	sshll.u32 s1, $0xD;
	s1 =	sshrl.u32 s1, $0x2  }
0xbf: {  	s3 =	sand.u32 $0x4000, s31;
	s1 =	sadd.s32 s1, s30  }
0xc0: {  	s0 =	sor.u32 s3, s0;
	s1 =	sshll.u32 s1, $0x11  }
0xc1: {  	s0 =	sor.u32 s1, s0  }
0xc2: {  	s0 =	sadd.s32 $0x8F2B, s0  }
0xc3: {  	[sflag:s0] =	ssyncadd.remote.s32 $0x1  }
0xc4: {  	_ =	sfence.sel $0xFFFF  }
0xc5: {  	[dreg:$0x0] =	wrdreg $0xFFFFFFFF;
	(pc) =	sbr.abs _section_cstart, $3  }
0xc6: {  	[dreg:$0x1] =	wrdreg $0xFFFFFFFF  }
0xc7: {  	_ =	task.clear_ibuf [dreg:s7], $0x2FFFF;
	_ =	strace $0x9FFFFFFF  }
0xc8: {  	(tm) =	ssettm $0x7FFFFFFF  }
0xc9: {  	_ =	shalt  }
tec
execute0_lowered:
.L_overlay_start_1:
0x0: {  	(tag) =	ssettag $0x1  }
0x1: {  	s3 =	rddreg [dreg:$0x0]  }
0x2: {  	s4 =	rddreg [dreg:$0x1]  }
0x3: {  	s0 =	rddreg [dreg:$0x2];
	s2 =	simm.s32 $0x0  }
0x4: {  	s1 =	stileid.u32;
	s5 =	srdreg.scid;
	s11 =	simm.s32 $0x100  }
0x5: {  	s12 =	simm.s32 $0x1000;
	s13 =	simm.s32 $0x0;
	[smem:$0x7FF] =	sst s2  }
0x6: {  	s5 =	sand.u32 $0x1, s5;
	s6 =	sshll.u32 s1, $0x1;
	s7 =	sshrl.u32 s1, $0x2  }
0x7: {  	s30 =	sand.u32 $0x3, s1;
	_ =	strace $0x80000047;
	s8 =	ssub.s32 $0x2, s5  }
0x8: {  	s6 =	sand.u32 $0x6, s6;
	s9 =	sshll.u32 s7, $0x4;
	s7 =	sshll.u32 s7, $0xD  }
0x9: {  	s31 =	sshll.u32 s5, $0xC;
	s10 =	sshrl.u32 s8, $0x1;
	s6 =	sor.u32 s5, s6  }
0xa: {  	s3 =	sadd.s32 s9, s3;
	s9 =	simm.s32 $0x200;
	s8 =	ssub.s32 s8, s10  }
0xb: {  	s29 =	sshll.u32 s6, $0xB;
	s6 =	sshll.u32 s6, $0xA;
	s10 =	simm.s32 $0x1  }
0xc: {  	s3 =	sadd.s32 s29, s3;
	s6 =	sor.u32 s7, s6;
	s7 =	sshll.u32 s30, $0xD  }
0xd: {  	s3 =	sadd.s32 $0x800, s3;
	s4 =	sadd.s32 s4, s6;
	s6 =	smax.u32 s8, $0x1  }
0xe: {  	v0 =	vlaneseq.u32;
	s7 =	sor.u32 s31, s7;
	s8 =	simm.s32 $0x80;
	s5 =	sadd.s32 $0x10, s4  }
.LBB2_1:
0xf: {  	v1 =	vor.u32 s7, v0  }
0x10: {  	s14 =	simm.s32 $0x40;
	s16 =	simm.s32 $0x0;
	s15 =	smov.u32 s7;
	v1 =	vshrl.u32 v1, $0x3  }
.LBB2_2:
0x11: {  	p0 =	sne.s32 s14, $0x3FC0  }
0x12: {  	[tilespmem:s16+$0x1000] =	vst v1;
	s15 =	sadd.s32 $0x10, s15;
	s16 =	smov.u32 s14;
	s14 =	sadd.s32 $0x40, s14  }
.Ltmp0:
0x13: {  	(pc) =	sbr.rel @p0 .LBB2_2-.Ltmp0, $3  }
0x14: {  	_ =	sdelay $0x1  }
0x15: {  	v1 =	vor.u32 s15, v0  }
0x16: {  	s16 =	sshra.s32 s16, $0x2;
	v1 =	vshrl.u32 v1, $0x3  }
0x17: {  	[tilespmem:s16+$0x1000] =	vst v1  }
0x18: {  	[tilespmem:s2], [sflag:$0x1] =	stream.strided.gather [hbm4b:s3+s8], $0x1000, s9, s8, $0x38;
	[tilespmem:$0x2000] =	vst v63  }
0x19: {  	_ =	swait.ge [sflag:s10], $0x1000  }
0x1a: {  	[sflag:s10] =	ssyncset.done $0x0  }
0x1b: {  	[sflag:s10] =	ssyncadd.s32 $0xFFFFF000  }
0x1c: {  	[hbm4b:s4+s8] =	stream.strided.scatter [tilespmem:s12], [sflag:$0x1], $0x1000, s11, s8, $0x38;
	[tilespmem:$0x2000] =	vst v63  }
0x1d: {  	s13 =	sadd.s32 $0x1, s13;
	_ =	swait.ge [sflag:s10], $0x1000  }
0x1e: {  	p0 =	sne.s32 s13, s6;
	[sflag:s10] =	ssyncset.done $0x0  }
.Ltmp1:
0x1f: {  	[sflag:s10] =	ssyncadd.s32 $0xFFFFF000;
	(pc) =	sbr.rel @p0 .LBB2_1-.Ltmp1, $4  }
0x20: {  	[hbm4b:s5+s8] =	stream.strided.scatter [tilespmem:s2], [sflag:$0x1], $0x1000, s11, s8, $0x38;
	[tilespmem:$0x2000] =	vst v63  }
0x21: {  	_ =	swait.ge [sflag:s10], $0x1000  }
0x22: {  	[sflag:s10] =	ssyncset.done $0x0  }
0x23: {  	[sflag:s10] =	ssyncadd.s32 $0xFFFFF000  }
0x24: {  	_ =	sfence.sel $0x180000  }
0x25: {  	[bflag:$0x0] =	sbarrier.arrive $0xFFFF  }
0x26: {  	p0 =	sne.s32 s1, $0x0;
	_ =	strace $0x90000047  }
0x27: {  	s0 =	sadd.s32 @!p0 $0x100000, s0;
	[bflag:$0x2] =	sbarrier.arrive $0xFFFF  }
0x28: {  	[sflag:s0] =	ssyncadd.tile.s32 @!p0 $0x1;
	_ =	shalt  }
.Lfunc_end2:
_tile_overlayer_lowered:
.L_overlay_start_2:
0x29: {  	(tag) =	ssettag $0x2  }
0x2a: {  	s0 =	rddreg [dreg:$0x0];
	s2 =	stileid.u32  }
0x2b: {  	s1 =	rddreg [dreg:$0x1];
	p0 =	sne.s32 s2, $0x0  }
0x2c: {  	s3 =	rddreg [dreg:$0x2];
	[bflag:$0x3] =	sbarrier.arrive $0xFFFF;
	s2 =	simm.s32 @!p0 $0x1C01  }
0x2d: {  	[timem:s3], [sflag:s2] =	dma.local @!p0 [hbm:s0], s1  }
0x2e: {  	s0 =	simm.s32 @!p0 $0x1  }
0x2f: {  	_ =	swait.ge @!p0 [sflag:s0], s1  }
0x30: {  	s1 =	ssub.s32 @!p0 $0x0, s1;
	[sflag:s0] =	ssyncset.done @!p0 $0x0  }
0x31: {  	[sflag:s0] =	ssyncadd.s32 @!p0 s1  }
0x32: {  	[bflag:$0x3] =	sbarrier.arrive $0xFFFF  }
0x33: {  	_ =	shalt  }

</sc_bundles>
